<compile_context>
chip_gen: v7x
topology: tpu7x:2x2x1
jax: 0.10.2.dev20260603
libtpu: 0.0.44.dev20260713+nightly
codegen_flags: <defaults>
</compile_context>

<pallas_src>
import functools

import jax
import jax.numpy as jnp
from jax import lax
from jax.experimental import pallas as pl
from jax.experimental.pallas import tpu as pltpu
from jax.experimental.pallas import tpu_sc as plsc

NC = 2
NS = 16
NW = NC * NS
LANES = 16
CHUNK = 128
PADE = 128


def _logsigmoid(z):
    u = jnp.exp(-jnp.abs(z))
    s = u / (u + 2.0)
    s2 = s * s
    p = jnp.float32(1.0 / 13.0)
    for c in (1.0 / 11.0, 1.0 / 9.0, 1.0 / 7.0, 1.0 / 5.0, 1.0 / 3.0, 1.0):
        p = p * s2 + jnp.float32(c)
    return jnp.minimum(z, 0.0) - 2.0 * s * p


def _make_sc_kernel(n_tokens, embed):
    per_worker = n_tokens // NW
    n_chunks = per_worker // CHUNK
    mesh = plsc.VectorSubcoreMesh(core_axis_name="c", subcore_axis_name="s")

    @functools.partial(
        pl.kernel,
        out_type=jax.ShapeDtypeStruct((NW, LANES), jnp.float32),
        mesh=mesh,
        compiler_params=pltpu.CompilerParams(needs_layout_passes=False),
        scratch_types=[
            pltpu.VMEM((per_worker,), jnp.int32),
            pltpu.VMEM((CHUNK, embed), jnp.float32),
            pltpu.VMEM((CHUNK, embed), jnp.float32),
            pltpu.VMEM((CHUNK, PADE), jnp.float32),
            pltpu.VMEM((CHUNK, PADE), jnp.float32),
            pltpu.VMEM((LANES,), jnp.float32),
            pltpu.SemaphoreType.DMA,
            pltpu.SemaphoreType.DMA,
            pltpu.SemaphoreType.DMA,
            pltpu.SemaphoreType.DMA,
        ],
    )
    def sc_kernel(sent_hbm, ctx_hbm, w_hbm, out_hbm, idx_v, ctx_a, ctx_b,
                  wr_a, wr_b, acc_v, sem_ca, sem_cb, sem_wa, sem_wb):
        wid = lax.axis_index("s") * NC + lax.axis_index("c")
        tok0 = wid * per_worker
        ctx_bufs = (ctx_a, ctx_b)
        wr_bufs = (wr_a, wr_b)
        ctx_sems = (sem_ca, sem_cb)
        wr_sems = (sem_wa, sem_wb)

        acc_v[...] = jnp.zeros((LANES,), jnp.float32)
        pltpu.sync_copy(sent_hbm.at[pl.ds(tok0, per_worker)], idx_v)

        def launch(k, b):
            pltpu.async_copy(
                ctx_hbm.at[pl.ds(tok0 + k * CHUNK, CHUNK)],
                ctx_bufs[b], ctx_sems[b])
            pltpu.async_copy(
                w_hbm.at[idx_v.at[pl.ds(k * CHUNK, CHUNK)]],
                wr_bufs[b], wr_sems[b])

        def wait(k, b):
            pltpu.make_async_copy(
                ctx_hbm.at[pl.ds(tok0 + k * CHUNK, CHUNK)],
                ctx_bufs[b], ctx_sems[b]).wait()
            pltpu.make_async_copy(
                w_hbm.at[idx_v.at[pl.ds(k * CHUNK, CHUNK)]],
                wr_bufs[b], wr_sems[b]).wait()

        def compute(b):
            ctx_r = ctx_bufs[b]
            wr_r = wr_bufs[b]

            def group_body(g, carry):
                rows = g * LANES + lax.iota(jnp.int32, LANES)
                zinit = jnp.zeros((LANES,), jnp.float32)

                def dot_step(e, z):
                    z0, z1 = z
                    ev = jnp.zeros((LANES,), jnp.int32) + e
                    ev1 = ev + 1
                    z0 = z0 + (plsc.load_gather(wr_r, [rows, ev])
                               * plsc.load_gather(ctx_r, [rows, ev]))
                    z1 = z1 + (plsc.load_gather(wr_r, [rows, ev1])
                               * plsc.load_gather(ctx_r, [rows, ev1]))
                    return z0, z1

                z0, z1 = plsc.parallel_loop(
                    0, embed, step=2, unroll=4,
                    carry=(zinit, zinit))(dot_step)
                acc_v[...] = acc_v[...] + _logsigmoid(z0 + z1)
                return carry

            lax.fori_loop(0, CHUNK // LANES, group_body, 0)

        launch(0, 0)

        def pair_body(k2, carry):
            k = 2 * k2
            launch(k + 1, 1)
            wait(k, 0)
            compute(0)

            @pl.when(k + 2 < n_chunks)
            def _():
                launch(k + 2, 0)

            wait(k + 1, 1)
            compute(1)
            return carry

        lax.fori_loop(0, n_chunks // 2, pair_body, 0)
        pltpu.sync_copy(acc_v, out_hbm.at[wid])

    return sc_kernel


def kernel(sentence, context, W):
    b, l = sentence.shape
    embed = W.shape[1]
    n_tokens = b * l
    sent_flat = sentence.reshape(n_tokens)
    ctx_flat = context.reshape(n_tokens, embed)
    w_pad = jnp.pad(W, ((0, 0), (0, PADE - embed)))
    partials = _make_sc_kernel(n_tokens, embed)(sent_flat, ctx_flat, w_pad)
    return (-jnp.sum(partials) / b).astype(jnp.float32)

# --- scband reference (transcript-rebuilt; emitter-appended) ---
"""Pipeline reference for scband-negative-sampling-65171833750025 (READ-ONLY COPY).

The authoritative reference and input builder live on the scoring server;
editing this copy changes nothing except your own understanding.
"""

import jax, jax.numpy as jnp
import numpy as np

VOCAB = 10000  # len(counter) + 4
EMBED = 64
B = 4096
L = 200

def setup_inputs(seed: int = 0) -> dict:
    key = jax.random.key(seed)
    k1, k2 = jax.random.split(key)
    sentence = jax.random.randint(k1, (B, L), 0, VOCAB, dtype=jnp.int32)
    context = jax.random.normal(k2, (B, L, EMBED), dtype=jnp.float32)
    # torch module zero-initializes the embedding table (W.weight.data.zero_())
    W = jnp.zeros((VOCAB, EMBED), dtype=jnp.float32)
    return {"sentence": sentence, "context": context, "W": W}

def reference(sentence, context, W):
    # emb = self.W(sentence)  -> embedding gather
    emb = jnp.take(W, sentence, axis=0)  # [B, L, EMBED]
    # pos = logsigmoid((emb * context).sum(2)).sum()
    z = jnp.sum(emb * context, axis=2)  # [B, L]
    pos = jnp.sum(jax.nn.log_sigmoid(z))
    batch_size = sentence.shape[0]
    return -pos / batch_size

if __name__ == "__main__":
    import jax
    _d = setup_inputs()
    print(jax.jit(kernel)(*tuple(_d.values())))

</pallas_src>

<mosaic_0001>
#map = affine_map<(d0, d1) -> (0)>
#map1 = affine_map<(d0, d1) -> (0, 0)>
module attributes {stable_mosaic.version = 14 : i64} {
  func.func @sc_kernel(%arg0: i32, %arg1: i32, %arg2: memref<819200xi32, #tpu.memory_space<hbm>>, %arg3: memref<819200x64xf32, #tpu.memory_space<hbm>>, %arg4: memref<10000x128xf32, #tpu.memory_space<hbm>>, %arg5: memref<32x16xf32, #tpu.memory_space<hbm>>, %arg6: memref<25600xi32, #tpu.memory_space<vmem>>, %arg7: memref<128x64xf32, #tpu.memory_space<vmem>>, %arg8: memref<128x64xf32, #tpu.memory_space<vmem>>, %arg9: memref<128x128xf32, #tpu.memory_space<vmem>>, %arg10: memref<128x128xf32, #tpu.memory_space<vmem>>, %arg11: memref<16xf32, #tpu.memory_space<vmem>>, %arg12: memref<!tpu.dma_semaphore, #tpu.memory_space<semaphore_mem>>, %arg13: memref<!tpu.dma_semaphore, #tpu.memory_space<semaphore_mem>>, %arg14: memref<!tpu.dma_semaphore, #tpu.memory_space<semaphore_mem>>, %arg15: memref<!tpu.dma_semaphore, #tpu.memory_space<semaphore_mem>>) attributes {dimension_semantics = [#tpu.dimension_semantics<core_parallel>, #tpu.dimension_semantics<subcore_parallel>], iteration_bounds = array<i64: 2, 16>, scalar_prefetch = 0 : i64, scratch_operands = 10 : i64, tpu.core_type = #tpu.core_type<sc_vector_subcore>, window_params = [{transform_indices = #map}, {transform_indices = #map1}, {transform_indices = #map1}, {transform_indices = #map1}]} {
    %mul3A = arith.constant 2 : i32
    %mul3A_0 = arith.muli %arg1, %mul3A : i32
    %add3A = arith.addi %mul3A_0, %arg0 : i32
    %mul3A_1 = arith.constant 25600 : i32
    %mul3A_2 = arith.muli %add3A, %mul3A_1 : i32
    %broadcast_in_dim3A = arith.constant 0.000000e+00 : f32
    %broadcast_in_dim3A_3 = vector.broadcast %broadcast_in_dim3A : f32 to vector<16xf32>
    %swap3A = arith.constant 0 : index
    %swap3A_4 = tpu.vector_load %arg11[%swap3A] {strides = array<i32>} : memref<16xf32, #tpu.memory_space<vmem>>, vector<16xf32>,
    tpu.vector_store %arg11[%swap3A], %broadcast_in_dim3A_3 {strides = array<i32>} : memref<16xf32, #tpu.memory_space<vmem>>, vector<16xf32>,
    "tpu.region"() ({
      %run_scoped3A = tpu.sem_alloc : memref<!tpu.dma_semaphore, #tpu.memory_space<semaphore_mem>>
      %dma_start3A_20 = tpu.memref_slice %arg2[%mul3A_2] : memref<819200xi32, #tpu.memory_space<hbm>> -> memref<25600xi32, #tpu.memory_space<hbm>>
      %dma_start3A_21 = tpu.memref_slice %arg2[%mul3A_2] : memref<819200xi32, #tpu.memory_space<hbm>> -> memref<25600xi32, #tpu.memory_space<hbm>>
      tpu.enqueue_dma source(%dma_start3A_21 : memref<25600xi32, #tpu.memory_space<hbm>>) target(%arg6 : memref<25600xi32, #tpu.memory_space<vmem>>) target_semaphore(%run_scoped3A : memref<!tpu.dma_semaphore, #tpu.memory_space<semaphore_mem>>)
      %dma_wait3A = tpu.memref_slice %arg2[%mul3A_2] : memref<819200xi32, #tpu.memory_space<hbm>> -> memref<25600xi32, #tpu.memory_space<hbm>>
      %dma_wait3A_22 = tpu.memref_slice %arg2[%mul3A_2] : memref<819200xi32, #tpu.memory_space<hbm>> -> memref<25600xi32, #tpu.memory_space<hbm>>
      tpu.wait_dma2 semaphore(%run_scoped3A : memref<!tpu.dma_semaphore, #tpu.memory_space<semaphore_mem>>) src(%dma_wait3A_22 : memref<25600xi32, #tpu.memory_space<hbm>>) dst(%arg6 : memref<25600xi32, #tpu.memory_space<vmem>>)
      tpu.yield
    }) : () -> ()
    %add3A_5 = arith.constant 0 : i32
    %add3A_6 = arith.addi %mul3A_2, %add3A_5 : i32
    %dma_start3A = arith.constant 0 : i32
    %dma_start3A_7 = tpu.memref_slice %arg3[%add3A_6, %dma_start3A] : memref<819200x64xf32, #tpu.memory_space<hbm>> -> memref<128x64xf32, #tpu.memory_space<hbm>>
    %dma_start3A_8 = arith.constant 0 : i32
    %dma_start3A_9 = tpu.memref_slice %arg3[%add3A_6, %dma_start3A_8] : memref<819200x64xf32, #tpu.memory_space<hbm>> -> memref<128x64xf32, #tpu.memory_space<hbm>>
    tpu.enqueue_dma source(%dma_start3A_9 : memref<128x64xf32, #tpu.memory_space<hbm>>) target(%arg7 : memref<128x64xf32, #tpu.memory_space<vmem>>) target_semaphore(%arg12 : memref<!tpu.dma_semaphore, #tpu.memory_space<semaphore_mem>>)
    %dma_start3A_10 = arith.constant 0 : i32
    %dma_start3A_11 = tpu.memref_slice %arg6[%dma_start3A_10] : memref<25600xi32, #tpu.memory_space<vmem>> -> memref<128xi32, #tpu.memory_space<vmem>>
    %dma_start3A_12 = arith.constant 0 : i32
    %dma_start3A_13 = arith.constant 0 : i32
    %dma_start3A_14 = tpu.memref_slice %arg4[%dma_start3A_12, %dma_start3A_13] : memref<10000x128xf32, #tpu.memory_space<hbm>> -> memref<10000x128xf32, #tpu.memory_space<hbm>>
    tpu.enqueue_indirect_dma source(%dma_start3A_14 : memref<10000x128xf32, #tpu.memory_space<hbm>>) target(%arg9 : memref<128x128xf32, #tpu.memory_space<vmem>>) offsets(%dma_start3A_11 : memref<128xi32, #tpu.memory_space<vmem>>) semaphore(%arg14 : memref<!tpu.dma_semaphore, #tpu.memory_space<semaphore_mem>>)
    %scan3A = arith.constant 0 : i32
    %scan3A_15 = arith.constant 0 : i32
    %scan3A_16 = arith.constant 100 : i32
    %scan3A_17 = arith.addi %scan3A_15, %scan3A_16 : i32
    %scan3A_18 = arith.constant 1 : i32
    scf.for %scan3A_20 = %scan3A_15 to %scan3A_17 step %scan3A_18  : i32 {
      %mul3A_21 = arith.constant 2 : i32
      %mul3A_22 = arith.muli %mul3A_21, %scan3A_20 : i32
      %add3A_23 = arith.constant 1 : i32
      %add3A_24 = arith.addi %mul3A_22, %add3A_23 : i32
      %mul3A_25 = arith.constant 128 : i32
      %mul3A_26 = arith.muli %add3A_24, %mul3A_25 : i32
      %add3A_27 = arith.addi %mul3A_2, %mul3A_26 : i32
      %dma_start3A_28 = arith.constant 0 : i32
      %dma_start3A_29 = tpu.memref_slice %arg3[%add3A_27, %dma_start3A_28] : memref<819200x64xf32, #tpu.memory_space<hbm>> -> memref<128x64xf32, #tpu.memory_space<hbm>>
      %dma_start3A_30 = arith.constant 0 : i32
      %dma_start3A_31 = tpu.memref_slice %arg3[%add3A_27, %dma_start3A_30] : memref<819200x64xf32, #tpu.memory_space<hbm>> -> memref<128x64xf32, #tpu.memory_space<hbm>>
      tpu.enqueue_dma source(%dma_start3A_31 : memref<128x64xf32, #tpu.memory_space<hbm>>) target(%arg8 : memref<128x64xf32, #tpu.memory_space<vmem>>) target_semaphore(%arg13 : memref<!tpu.dma_semaphore, #tpu.memory_space<semaphore_mem>>)
      %mul3A_32 = arith.constant 128 : i32
      %mul3A_33 = arith.muli %add3A_24, %mul3A_32 : i32
      %dma_start3A_34 = tpu.memref_slice %arg6[%mul3A_33] : memref<25600xi32, #tpu.memory_space<vmem>> -> memref<128xi32, #tpu.memory_space<vmem>>
      %dma_start3A_35 = arith.constant 0 : i32
      %dma_start3A_36 = arith.constant 0 : i32
      %dma_start3A_37 = tpu.memref_slice %arg4[%dma_start3A_35, %dma_start3A_36] : memref<10000x128xf32, #tpu.memory_space<hbm>> -> memref<10000x128xf32, #tpu.memory_space<hbm>>
      tpu.enqueue_indirect_dma source(%dma_start3A_37 : memref<10000x128xf32, #tpu.memory_space<hbm>>) target(%arg10 : memref<128x128xf32, #tpu.memory_space<vmem>>) offsets(%dma_start3A_34 : memref<128xi32, #tpu.memory_space<vmem>>) semaphore(%arg15 : memref<!tpu.dma_semaphore, #tpu.memory_space<semaphore_mem>>)
      %mul3A_38 = arith.constant 128 : i32
      %mul3A_39 = arith.muli %mul3A_22, %mul3A_38 : i32
      %add3A_40 = arith.addi %mul3A_2, %mul3A_39 : i32
      %dma_wait3A = arith.constant 0 : i32
      %dma_wait3A_41 = tpu.memref_slice %arg3[%add3A_40, %dma_wait3A] : memref<819200x64xf32, #tpu.memory_space<hbm>> -> memref<128x64xf32, #tpu.memory_space<hbm>>
      %dma_wait3A_42 = arith.constant 0 : i32
      %dma_wait3A_43 = tpu.memref_slice %arg3[%add3A_40, %dma_wait3A_42] : memref<819200x64xf32, #tpu.memory_space<hbm>> -> memref<128x64xf32, #tpu.memory_space<hbm>>
      tpu.wait_dma2 semaphore(%arg12 : memref<!tpu.dma_semaphore, #tpu.memory_space<semaphore_mem>>) src(%dma_wait3A_43 : memref<128x64xf32, #tpu.memory_space<hbm>>) dst(%arg7 : memref<128x64xf32, #tpu.memory_space<vmem>>)
      %mul3A_44 = arith.constant 128 : i32
      %mul3A_45 = arith.muli %mul3A_22, %mul3A_44 : i32
      %dma_wait3A_46 = tpu.memref_slice %arg6[%mul3A_45] : memref<25600xi32, #tpu.memory_space<vmem>> -> memref<128xi32, #tpu.memory_space<vmem>>
      %dma_wait3A_47 = arith.constant 0 : i32
      %dma_wait3A_48 = arith.constant 0 : i32
      %dma_wait3A_49 = tpu.memref_slice %arg4[%dma_wait3A_47, %dma_wait3A_48] : memref<10000x128xf32, #tpu.memory_space<hbm>> -> memref<10000x128xf32, #tpu.memory_space<hbm>>
      tpu.wait_indirect_dma semaphore(%arg14 : memref<!tpu.dma_semaphore, #tpu.memory_space<semaphore_mem>>) src(%dma_wait3A_49 : memref<10000x128xf32, #tpu.memory_space<hbm>>) dst(%arg9 : memref<128x128xf32, #tpu.memory_space<vmem>>)
      %scan3A_50 = arith.constant 0 : i32
      %scan3A_51 = arith.constant 0 : i32
      %scan3A_52 = arith.constant 8 : i32
      %scan3A_53 = arith.addi %scan3A_51, %scan3A_52 : i32
      %scan3A_54 = arith.constant 1 : i32
      scf.for %scan3A_81 = %scan3A_51 to %scan3A_53 step %scan3A_54  : i32 {
        %mul3A_82 = arith.constant 16 : i32
        %mul3A_83 = arith.muli %scan3A_81, %mul3A_82 : i32
        %iota3A = tpu.iota {dimensions = array<i32: 0>} : vector<16xi32>
        %add3A_84 = vector.broadcast %mul3A_83 : i32 to vector<16xi32>
        %add3A_85 = arith.addi %add3A_84, %iota3A : vector<16xi32>
        %broadcast_in_dim3A_86 = arith.constant 0.000000e+00 : f32
        %broadcast_in_dim3A_87 = vector.broadcast %broadcast_in_dim3A_86 : f32 to vector<16xf32>
        %parallel_loop3A = arith.constant 0 : i32
        %parallel_loop3A_88 = arith.constant 64 : i32
        %parallel_loop3A_89 = arith.constant 2 : i32
        %parallel_loop3A_90:2 = scf.for %parallel_loop3A_134 = %parallel_loop3A to %parallel_loop3A_88 step %parallel_loop3A_89 iter_args(%parallel_loop3A_135 = %broadcast_in_dim3A_87, %parallel_loop3A_136 = %broadcast_in_dim3A_87) -> (vector<16xf32>, vector<16xf32>)  : i32 {
          %parallel_loop3A_137 = arith.constant 0 : i32
          %parallel_loop3A_138 = vector.broadcast %parallel_loop3A_137 : i32 to vector<16xi32>
          %parallel_loop3A_139 = vector.broadcast %parallel_loop3A_134 : i32 to vector<16xi32>
          %parallel_loop3A_140 = arith.addi %parallel_loop3A_138, %parallel_loop3A_139 : vector<16xi32>
          %parallel_loop3A_141 = arith.constant 1 : i32
          %parallel_loop3A_142 = vector.broadcast %parallel_loop3A_141 : i32 to vector<16xi32>
          %parallel_loop3A_143 = arith.addi %parallel_loop3A_140, %parallel_loop3A_142 : vector<16xi32>
          %parallel_loop3A_144 = tpu.vector_load_idx %arg9[%add3A_85, %parallel_loop3A_140] : memref<128x128xf32, #tpu.memory_space<vmem>>[vector<16xi32>, vector<16xi32>], vector<16xf32>,
          %parallel_loop3A_145 = tpu.vector_load_idx %arg7[%add3A_85, %parallel_loop3A_140] : memref<128x64xf32, #tpu.memory_space<vmem>>[vector<16xi32>, vector<16xi32>], vector<16xf32>,
          %parallel_loop3A_146 = arith.mulf %parallel_loop3A_144, %parallel_loop3A_145 : vector<16xf32>
          %parallel_loop3A_147 = arith.addf %parallel_loop3A_135, %parallel_loop3A_146 : vector<16xf32>
          %parallel_loop3A_148 = tpu.vector_load_idx %arg9[%add3A_85, %parallel_loop3A_143] : memref<128x128xf32, #tpu.memory_space<vmem>>[vector<16xi32>, vector<16xi32>], vector<16xf32>,
          %parallel_loop3A_149 = tpu.vector_load_idx %arg7[%add3A_85, %parallel_loop3A_143] : memref<128x64xf32, #tpu.memory_space<vmem>>[vector<16xi32>, vector<16xi32>], vector<16xf32>,
          %parallel_loop3A_150 = arith.mulf %parallel_loop3A_148, %parallel_loop3A_149 : vector<16xf32>
          %parallel_loop3A_151 = arith.addf %parallel_loop3A_136, %parallel_loop3A_150 : vector<16xf32>
          scf.yield %parallel_loop3A_147, %parallel_loop3A_151 : vector<16xf32>, vector<16xf32>
        } {sc.loop_unroll_factor = 4 : i64, sc.parallel_access}
        %get3A = arith.constant 0 : index
        %get3A_91 = tpu.vector_load %arg11[%get3A] {strides = array<i32>} : memref<16xf32, #tpu.memory_space<vmem>>, vector<16xf32>,
        %add3A_92 = arith.addf %parallel_loop3A_90#0, %parallel_loop3A_90#1 : vector<16xf32>
        %abs3A = math.absf %add3A_92 : vector<16xf32>
        %neg3A = arith.constant 0.000000e+00 : f32
        %neg3A_93 = vector.broadcast %neg3A : f32 to vector<16xf32>
        %neg3A_94 = arith.subf %neg3A_93, %abs3A : vector<16xf32>
        %exp3A = math.exp %neg3A_94 : vector<16xf32>
        %add3A_95 = arith.constant 2.000000e+00 : f32
        %add3A_96 = vector.broadcast %add3A_95 : f32 to vector<16xf32>
        %add3A_97 = arith.addf %exp3A, %add3A_96 : vector<16xf32>
        %div3A = arith.divf %exp3A, %add3A_97 : vector<16xf32>
        %mul3A_98 = arith.mulf %div3A, %div3A : vector<16xf32>
        %mul3A_99 = arith.constant 0.0769230798 : f32
        %mul3A_100 = vector.broadcast %mul3A_99 : f32 to vector<16xf32>
        %mul3A_101 = arith.mulf %mul3A_100, %mul3A_98 : vector<16xf32>
        %add3A_102 = arith.constant 0.0909090936 : f32
        %add3A_103 = vector.broadcast %add3A_102 : f32 to vector<16xf32>
        %add3A_104 = arith.addf %mul3A_101, %add3A_103 : vector<16xf32>
        %mul3A_105 = arith.mulf %add3A_104, %mul3A_98 : vector<16xf32>
        %add3A_106 = arith.constant 0.111111112 : f32
        %add3A_107 = vector.broadcast %add3A_106 : f32 to vector<16xf32>
        %add3A_108 = arith.addf %mul3A_105, %add3A_107 : vector<16xf32>
        %mul3A_109 = arith.mulf %add3A_108, %mul3A_98 : vector<16xf32>
        %add3A_110 = arith.constant 0.142857149 : f32
        %add3A_111 = vector.broadcast %add3A_110 : f32 to vector<16xf32>
        %add3A_112 = arith.addf %mul3A_109, %add3A_111 : vector<16xf32>
        %mul3A_113 = arith.mulf %add3A_112, %mul3A_98 : vector<16xf32>
        %add3A_114 = arith.constant 2.000000e-01 : f32
        %add3A_115 = vector.broadcast %add3A_114 : f32 to vector<16xf32>
        %add3A_116 = arith.addf %mul3A_113, %add3A_115 : vector<16xf32>
        %mul3A_117 = arith.mulf %add3A_116, %mul3A_98 : vector<16xf32>
        %add3A_118 = arith.constant 0.333333343 : f32
        %add3A_119 = vector.broadcast %add3A_118 : f32 to vector<16xf32>
        %add3A_120 = arith.addf %mul3A_117, %add3A_119 : vector<16xf32>
        %mul3A_121 = arith.mulf %add3A_120, %mul3A_98 : vector<16xf32>
        %add3A_122 = arith.constant 1.000000e+00 : f32
        %add3A_123 = vector.broadcast %add3A_122 : f32 to vector<16xf32>
        %add3A_124 = arith.addf %mul3A_121, %add3A_123 : vector<16xf32>
        %min3A = arith.constant 0.000000e+00 : f32
        %min3A_125 = vector.broadcast %min3A : f32 to vector<16xf32>
        %min3A_126 = arith.minimumf %add3A_92, %min3A_125 : vector<16xf32>
        %mul3A_127 = arith.constant 2.000000e+00 : f32
        %mul3A_128 = vector.broadcast %mul3A_127 : f32 to vector<16xf32>
        %mul3A_129 = arith.mulf %mul3A_128, %div3A : vector<16xf32>
        %mul3A_130 = arith.mulf %mul3A_129, %add3A_124 : vector<16xf32>
        %sub3A = arith.subf %min3A_126, %mul3A_130 : vector<16xf32>
        %add3A_131 = arith.addf %get3A_91, %sub3A : vector<16xf32>
        %swap3A_132 = arith.constant 0 : index
        %swap3A_133 = tpu.vector_load %arg11[%swap3A_132] {strides = array<i32>} : memref<16xf32, #tpu.memory_space<vmem>>, vector<16xf32>,
        tpu.vector_store %arg11[%swap3A_132], %add3A_131 {strides = array<i32>} : memref<16xf32, #tpu.memory_space<vmem>>, vector<16xf32>,
      }
      %scan3A_55 = arith.constant 8 : i32
      %add3A_56 = arith.constant 2 : i32
      %add3A_57 = arith.addi %mul3A_22, %add3A_56 : i32
      %lt3A = arith.constant 200 : i32
      %lt3A_58 = arith.cmpi slt, %add3A_57, %lt3A : i32
      %convert_element_type3A = arith.extui %lt3A_58 : i1 to i32
      %cond3A = arith.constant 0 : i32
      %cond3A_59 = arith.cmpi ne, %convert_element_type3A, %cond3A : i32
      scf.if %cond3A_59 {
        %add3A_81 = arith.constant 2 : i32
        %add3A_82 = arith.addi %mul3A_22, %add3A_81 : i32
        %mul3A_83 = arith.constant 128 : i32
        %mul3A_84 = arith.muli %add3A_82, %mul3A_83 : i32
        %add3A_85 = arith.addi %mul3A_2, %mul3A_84 : i32
        %dma_start3A_86 = arith.constant 0 : i32
        %dma_start3A_87 = tpu.memref_slice %arg3[%add3A_85, %dma_start3A_86] : memref<819200x64xf32, #tpu.memory_space<hbm>> -> memref<128x64xf32, #tpu.memory_space<hbm>>
        %dma_start3A_88 = arith.constant 0 : i32
        %dma_start3A_89 = tpu.memref_slice %arg3[%add3A_85, %dma_start3A_88] : memref<819200x64xf32, #tpu.memory_space<hbm>> -> memref<128x64xf32, #tpu.memory_space<hbm>>
        tpu.enqueue_dma source(%dma_start3A_89 : memref<128x64xf32, #tpu.memory_space<hbm>>) target(%arg7 : memref<128x64xf32, #tpu.memory_space<vmem>>) target_semaphore(%arg12 : memref<!tpu.dma_semaphore, #tpu.memory_space<semaphore_mem>>)
        %mul3A_90 = arith.constant 128 : i32
        %mul3A_91 = arith.muli %add3A_82, %mul3A_90 : i32
        %dma_start3A_92 = tpu.memref_slice %arg6[%mul3A_91] : memref<25600xi32, #tpu.memory_space<vmem>> -> memref<128xi32, #tpu.memory_space<vmem>>
        %dma_start3A_93 = arith.constant 0 : i32
        %dma_start3A_94 = arith.constant 0 : i32
        %dma_start3A_95 = tpu.memref_slice %arg4[%dma_start3A_93, %dma_start3A_94] : memref<10000x128xf32, #tpu.memory_space<hbm>> -> memref<10000x128xf32, #tpu.memory_space<hbm>>
        tpu.enqueue_indirect_dma source(%dma_start3A_95 : memref<10000x128xf32, #tpu.memory_space<hbm>>) target(%arg9 : memref<128x128xf32, #tpu.memory_space<vmem>>) offsets(%dma_start3A_92 : memref<128xi32, #tpu.memory_space<vmem>>) semaphore(%arg14 : memref<!tpu.dma_semaphore, #tpu.memory_space<semaphore_mem>>)
      } else {
      }
      %add3A_60 = arith.constant 1 : i32
      %add3A_61 = arith.addi %mul3A_22, %add3A_60 : i32
      %mul3A_62 = arith.constant 128 : i32
      %mul3A_63 = arith.muli %add3A_61, %mul3A_62 : i32
      %add3A_64 = arith.addi %mul3A_2, %mul3A_63 : i32
      %dma_wait3A_65 = arith.constant 0 : i32
      %dma_wait3A_66 = tpu.memref_slice %arg3[%add3A_64, %dma_wait3A_65] : memref<819200x64xf32, #tpu.memory_space<hbm>> -> memref<128x64xf32, #tpu.memory_space<hbm>>
      %dma_wait3A_67 = arith.constant 0 : i32
      %dma_wait3A_68 = tpu.memref_slice %arg3[%add3A_64, %dma_wait3A_67] : memref<819200x64xf32, #tpu.memory_space<hbm>> -> memref<128x64xf32, #tpu.memory_space<hbm>>
      tpu.wait_dma2 semaphore(%arg13 : memref<!tpu.dma_semaphore, #tpu.memory_space<semaphore_mem>>) src(%dma_wait3A_68 : memref<128x64xf32, #tpu.memory_space<hbm>>) dst(%arg8 : memref<128x64xf32, #tpu.memory_space<vmem>>)
      %mul3A_69 = arith.constant 128 : i32
      %mul3A_70 = arith.muli %add3A_61, %mul3A_69 : i32
      %dma_wait3A_71 = tpu.memref_slice %arg6[%mul3A_70] : memref<25600xi32, #tpu.memory_space<vmem>> -> memref<128xi32, #tpu.memory_space<vmem>>
      %dma_wait3A_72 = arith.constant 0 : i32
      %dma_wait3A_73 = arith.constant 0 : i32
      %dma_wait3A_74 = tpu.memref_slice %arg4[%dma_wait3A_72, %dma_wait3A_73] : memref<10000x128xf32, #tpu.memory_space<hbm>> -> memref<10000x128xf32, #tpu.memory_space<hbm>>
      tpu.wait_indirect_dma semaphore(%arg15 : memref<!tpu.dma_semaphore, #tpu.memory_space<semaphore_mem>>) src(%dma_wait3A_74 : memref<10000x128xf32, #tpu.memory_space<hbm>>) dst(%arg10 : memref<128x128xf32, #tpu.memory_space<vmem>>)
      %scan3A_75 = arith.constant 0 : i32
      %scan3A_76 = arith.constant 0 : i32
      %scan3A_77 = arith.constant 8 : i32
      %scan3A_78 = arith.addi %scan3A_76, %scan3A_77 : i32
      %scan3A_79 = arith.constant 1 : i32
      scf.for %scan3A_81 = %scan3A_76 to %scan3A_78 step %scan3A_79  : i32 {
        %mul3A_82 = arith.constant 16 : i32
        %mul3A_83 = arith.muli %scan3A_81, %mul3A_82 : i32
        %iota3A = tpu.iota {dimensions = array<i32: 0>} : vector<16xi32>
        %add3A_84 = vector.broadcast %mul3A_83 : i32 to vector<16xi32>
        %add3A_85 = arith.addi %add3A_84, %iota3A : vector<16xi32>
        %broadcast_in_dim3A_86 = arith.constant 0.000000e+00 : f32
        %broadcast_in_dim3A_87 = vector.broadcast %broadcast_in_dim3A_86 : f32 to vector<16xf32>
        %parallel_loop3A = arith.constant 0 : i32
        %parallel_loop3A_88 = arith.constant 64 : i32
        %parallel_loop3A_89 = arith.constant 2 : i32
        %parallel_loop3A_90:2 = scf.for %parallel_loop3A_134 = %parallel_loop3A to %parallel_loop3A_88 step %parallel_loop3A_89 iter_args(%parallel_loop3A_135 = %broadcast_in_dim3A_87, %parallel_loop3A_136 = %broadcast_in_dim3A_87) -> (vector<16xf32>, vector<16xf32>)  : i32 {
          %parallel_loop3A_137 = arith.constant 0 : i32
          %parallel_loop3A_138 = vector.broadcast %parallel_loop3A_137 : i32 to vector<16xi32>
          %parallel_loop3A_139 = vector.broadcast %parallel_loop3A_134 : i32 to vector<16xi32>
          %parallel_loop3A_140 = arith.addi %parallel_loop3A_138, %parallel_loop3A_139 : vector<16xi32>
          %parallel_loop3A_141 = arith.constant 1 : i32
          %parallel_loop3A_142 = vector.broadcast %parallel_loop3A_141 : i32 to vector<16xi32>
          %parallel_loop3A_143 = arith.addi %parallel_loop3A_140, %parallel_loop3A_142 : vector<16xi32>
          %parallel_loop3A_144 = tpu.vector_load_idx %arg10[%add3A_85, %parallel_loop3A_140] : memref<128x128xf32, #tpu.memory_space<vmem>>[vector<16xi32>, vector<16xi32>], vector<16xf32>,
          %parallel_loop3A_145 = tpu.vector_load_idx %arg8[%add3A_85, %parallel_loop3A_140] : memref<128x64xf32, #tpu.memory_space<vmem>>[vector<16xi32>, vector<16xi32>], vector<16xf32>,
          %parallel_loop3A_146 = arith.mulf %parallel_loop3A_144, %parallel_loop3A_145 : vector<16xf32>
          %parallel_loop3A_147 = arith.addf %parallel_loop3A_135, %parallel_loop3A_146 : vector<16xf32>
          %parallel_loop3A_148 = tpu.vector_load_idx %arg10[%add3A_85, %parallel_loop3A_143] : memref<128x128xf32, #tpu.memory_space<vmem>>[vector<16xi32>, vector<16xi32>], vector<16xf32>,
          %parallel_loop3A_149 = tpu.vector_load_idx %arg8[%add3A_85, %parallel_loop3A_143] : memref<128x64xf32, #tpu.memory_space<vmem>>[vector<16xi32>, vector<16xi32>], vector<16xf32>,
          %parallel_loop3A_150 = arith.mulf %parallel_loop3A_148, %parallel_loop3A_149 : vector<16xf32>
          %parallel_loop3A_151 = arith.addf %parallel_loop3A_136, %parallel_loop3A_150 : vector<16xf32>
          scf.yield %parallel_loop3A_147, %parallel_loop3A_151 : vector<16xf32>, vector<16xf32>
        } {sc.loop_unroll_factor = 4 : i64, sc.parallel_access}
        %get3A = arith.constant 0 : index
        %get3A_91 = tpu.vector_load %arg11[%get3A] {strides = array<i32>} : memref<16xf32, #tpu.memory_space<vmem>>, vector<16xf32>,
        %add3A_92 = arith.addf %parallel_loop3A_90#0, %parallel_loop3A_90#1 : vector<16xf32>
        %abs3A = math.absf %add3A_92 : vector<16xf32>
        %neg3A = arith.constant 0.000000e+00 : f32
        %neg3A_93 = vector.broadcast %neg3A : f32 to vector<16xf32>
        %neg3A_94 = arith.subf %neg3A_93, %abs3A : vector<16xf32>
        %exp3A = math.exp %neg3A_94 : vector<16xf32>
        %add3A_95 = arith.constant 2.000000e+00 : f32
        %add3A_96 = vector.broadcast %add3A_95 : f32 to vector<16xf32>
        %add3A_97 = arith.addf %exp3A, %add3A_96 : vector<16xf32>
        %div3A = arith.divf %exp3A, %add3A_97 : vector<16xf32>
        %mul3A_98 = arith.mulf %div3A, %div3A : vector<16xf32>
        %mul3A_99 = arith.constant 0.0769230798 : f32
        %mul3A_100 = vector.broadcast %mul3A_99 : f32 to vector<16xf32>
        %mul3A_101 = arith.mulf %mul3A_100, %mul3A_98 : vector<16xf32>
        %add3A_102 = arith.constant 0.0909090936 : f32
        %add3A_103 = vector.broadcast %add3A_102 : f32 to vector<16xf32>
        %add3A_104 = arith.addf %mul3A_101, %add3A_103 : vector<16xf32>
        %mul3A_105 = arith.mulf %add3A_104, %mul3A_98 : vector<16xf32>
        %add3A_106 = arith.constant 0.111111112 : f32
        %add3A_107 = vector.broadcast %add3A_106 : f32 to vector<16xf32>
        %add3A_108 = arith.addf %mul3A_105, %add3A_107 : vector<16xf32>
        %mul3A_109 = arith.mulf %add3A_108, %mul3A_98 : vector<16xf32>
        %add3A_110 = arith.constant 0.142857149 : f32
        %add3A_111 = vector.broadcast %add3A_110 : f32 to vector<16xf32>
        %add3A_112 = arith.addf %mul3A_109, %add3A_111 : vector<16xf32>
        %mul3A_113 = arith.mulf %add3A_112, %mul3A_98 : vector<16xf32>
        %add3A_114 = arith.constant 2.000000e-01 : f32
        %add3A_115 = vector.broadcast %add3A_114 : f32 to vector<16xf32>
        %add3A_116 = arith.addf %mul3A_113, %add3A_115 : vector<16xf32>
        %mul3A_117 = arith.mulf %add3A_116, %mul3A_98 : vector<16xf32>
        %add3A_118 = arith.constant 0.333333343 : f32
        %add3A_119 = vector.broadcast %add3A_118 : f32 to vector<16xf32>
        %add3A_120 = arith.addf %mul3A_117, %add3A_119 : vector<16xf32>
        %mul3A_121 = arith.mulf %add3A_120, %mul3A_98 : vector<16xf32>
        %add3A_122 = arith.constant 1.000000e+00 : f32
        %add3A_123 = vector.broadcast %add3A_122 : f32 to vector<16xf32>
        %add3A_124 = arith.addf %mul3A_121, %add3A_123 : vector<16xf32>
        %min3A = arith.constant 0.000000e+00 : f32
        %min3A_125 = vector.broadcast %min3A : f32 to vector<16xf32>
        %min3A_126 = arith.minimumf %add3A_92, %min3A_125 : vector<16xf32>
        %mul3A_127 = arith.constant 2.000000e+00 : f32
        %mul3A_128 = vector.broadcast %mul3A_127 : f32 to vector<16xf32>
        %mul3A_129 = arith.mulf %mul3A_128, %div3A : vector<16xf32>
        %mul3A_130 = arith.mulf %mul3A_129, %add3A_124 : vector<16xf32>
        %sub3A = arith.subf %min3A_126, %mul3A_130 : vector<16xf32>
        %add3A_131 = arith.addf %get3A_91, %sub3A : vector<16xf32>
        %swap3A_132 = arith.constant 0 : index
        %swap3A_133 = tpu.vector_load %arg11[%swap3A_132] {strides = array<i32>} : memref<16xf32, #tpu.memory_space<vmem>>, vector<16xf32>,
        tpu.vector_store %arg11[%swap3A_132], %add3A_131 {strides = array<i32>} : memref<16xf32, #tpu.memory_space<vmem>>, vector<16xf32>,
      }
      %scan3A_80 = arith.constant 8 : i32
    }
    %scan3A_19 = arith.constant 100 : i32
    "tpu.region"() ({
      %run_scoped3A = tpu.sem_alloc : memref<!tpu.dma_semaphore, #tpu.memory_space<semaphore_mem>>
      %dma_start3A_20 = arith.constant 0 : i32
      %dma_start3A_21 = tpu.memref_slice %arg5[%add3A, %dma_start3A_20] : memref<32x16xf32, #tpu.memory_space<hbm>> -> memref<1x16xf32, #tpu.memory_space<hbm>>
      %dma_start3A_22 = tpu.memref_squeeze %dma_start3A_21 : memref<1x16xf32, #tpu.memory_space<hbm>> -> memref<16xf32, #tpu.memory_space<hbm>>
      %dma_start3A_23 = arith.constant 0 : i32
      %dma_start3A_24 = tpu.memref_slice %arg5[%add3A, %dma_start3A_23] : memref<32x16xf32, #tpu.memory_space<hbm>> -> memref<1x16xf32, #tpu.memory_space<hbm>>
      %dma_start3A_25 = tpu.memref_squeeze %dma_start3A_24 : memref<1x16xf32, #tpu.memory_space<hbm>> -> memref<16xf32, #tpu.memory_space<hbm>>
      tpu.enqueue_dma source(%arg11 : memref<16xf32, #tpu.memory_space<vmem>>) target(%dma_start3A_25 : memref<16xf32, #tpu.memory_space<hbm>>) target_semaphore(%run_scoped3A : memref<!tpu.dma_semaphore, #tpu.memory_space<semaphore_mem>>)
      %dma_wait3A = arith.constant 0 : i32
      %dma_wait3A_26 = tpu.memref_slice %arg5[%add3A, %dma_wait3A] : memref<32x16xf32, #tpu.memory_space<hbm>> -> memref<1x16xf32, #tpu.memory_space<hbm>>
      %dma_wait3A_27 = tpu.memref_squeeze %dma_wait3A_26 : memref<1x16xf32, #tpu.memory_space<hbm>> -> memref<16xf32, #tpu.memory_space<hbm>>
      %dma_wait3A_28 = arith.constant 0 : i32
      %dma_wait3A_29 = tpu.memref_slice %arg5[%add3A, %dma_wait3A_28] : memref<32x16xf32, #tpu.memory_space<hbm>> -> memref<1x16xf32, #tpu.memory_space<hbm>>
      %dma_wait3A_30 = tpu.memref_squeeze %dma_wait3A_29 : memref<1x16xf32, #tpu.memory_space<hbm>> -> memref<16xf32, #tpu.memory_space<hbm>>
      tpu.wait_dma2 semaphore(%run_scoped3A : memref<!tpu.dma_semaphore, #tpu.memory_space<semaphore_mem>>) src(%arg11 : memref<16xf32, #tpu.memory_space<vmem>>) dst(%dma_wait3A_30 : memref<16xf32, #tpu.memory_space<hbm>>)
      tpu.yield
    }) : () -> ()
    return
  }
}

</mosaic_0001>

<sc_bundles>
// kernel: kernel.3.cloned.1.call-start
scs
__scs_entry_jumppad:
0x0: {  	(pc) =	sbr.rel $0x88, $3  }
0x1: {  	(tag) =	ssettag $0x0;
	lr =	simm.s32 $0x1  }
0x2: {  	[smem:$0x3F9E] =	sst lr;
	_ =	strace $0xD0000000  }
0x3: {  	_ = 	snop  }
0x4: {  	_ = 	snop  }
0x5: {  	_ = 	snop  }
0x6: {  	_ = 	snop  }
0x7: {  	_ = 	snop  }
__scs_overlays_trampoline_lowered:
0x8: {  	[smem:$0x3FAD] =	sst s0  }
0x9: {  	[smem:$0x3FAE] =	sst s1  }
0xa: {  	[smem:$0x3FAF] =	sst s2  }
0xb: {  	[smem:$0x3FB0] =	sst s3  }
0xc: {  	[smem:$0x3FB1] =	sst s4  }
0xd: {  	[smem:$0x3FB2] =	sst s5  }
0xe: {  	[smem:$0x3FB3] =	sst s6  }
0xf: {  	[smem:$0x3FB4] =	sst s7  }
0x10: {  	[smem:$0x3FB5] =	sst s8  }
0x11: {  	[smem:$0x3FB6] =	sst s9;
	s0 =	simm.s32 @!p0 $0x0  }
0x12: {  	s1 =	sld [smem:$0x3F9C];
	s0 =	simm.s32 @p0 $0x1  }
0x13: {  	[smem:$0x3FB7] =	sst s0;
	s0 =	simm.s32 @!p1 $0x0  }
0x14: {  	s2 =	sld [smem:$0x3F9B];
	s0 =	simm.s32 @p1 $0x1  }
0x15: {  	[smem:$0x3FB8] =	sst s0;
	s0 =	simm.s32 @!p2 $0x0  }
0x16: {  	s3 =	sld [smem:$0x3FDB];
	s0 =	simm.s32 @p2 $0x1  }
0x17: {  	s4 =	simm.s32 $0x1BF5;
	[smem:$0x3FBA] =	sst s0  }
0x18: {  	s0 =	sld [smem:$0x3F9D];
	_ =	swait.ge [sflag:s4], $0x0  }
0x19: {  	s7 =	sld [smem:$0x3F9E]  }
0x1a: {  	s8 =	sadd.s32 $0xFFFFE003, lr  }
0x1b: {  	s9 =	sadd.s32 $0xFFFFFEF7, lr;
	s5 =	simm.s32 $0xFFFFFFFF;
	p2 =	slt.u32 s8, $0xFFFFF086  }
0x1c: {  	p1 =	slt.u32 s9, $0xF7A;
	s5 =	simm.s32 @!p2 $0x0  }
0x1d: {  	s5 =	simm.s32 @p1 $0x1;
	p0 =	seq.s32 s7, s2  }
0x1e: {  	s7 =	smul.u32 @!p0 $0xF7A, s2;
	p2 =	seq.s32 @!p0 s5, $0x0  }
0x1f: {  	s9 =	smul.u32 $0xF7A, s1;
	s8 =	simm.s32 @!p0 $0x1BF5;
	p2 =	por !p2, p0  }
0x20: {  	[sflag:s8] =	ssyncset.s32 @!p0 $0xFFFFF086;
	s6 =	sadd.s32 @!p0 s3, s7;
	s7 =	simm.s32 @!p0 $0x108  }
0x21: {  	s3 =	sadd.s32 s3, s9;
	s6 =	sadd.s32 @!p0 $0x88, s6;
	s7 =	simm.s32 @p2 $0x1082  }
0x22: {  	[simem:s7], [sflag:s8] =	dma.local @!p0 [hbm:s6], $0xF7A  }
0x23: {  	s9 =	sor.u32 $0xD0000000, s2;
	s6 =	simm.s32 $0x108;
	_ =	swait.ge @!p0 [sflag:s8], $0x0  }
0x24: {  	s3 =	sadd.s32 $0x88, s3;
	s6 =	simm.s32 @!p1 $0x1082;
	[sflag:s4] =	ssyncset.s32 $0xFFFFF086  }
0x25: {  	[simem:s6], [sflag:s4] =	dma.local [hbm:s3], $0xF7A  }
0x26: {  	[smem:$0x3F9E] =	sst s1;
	(tag) =	ssettag s2;
	_ =	strace s9  }
0x27: {  	s1 =	sld [smem:$0x3FAE]  }
0x28: {  	s2 =	sld [smem:$0x3FAF]  }
0x29: {  	s4 =	sld [smem:$0x3FB1]  }
0x2a: {  	p0 =	seq.s32 s5, $0x0;
	s5 =	sld [smem:$0x3FB2]  }
0x2b: {  	s6 =	sld [smem:$0x3FB3]  }
0x2c: {  	s7 =	sld [smem:$0x3FB4]  }
0x2d: {  	s3 =	simm.s32 $0x108;
	s8 =	sld [smem:$0x3FB5]  }
0x2e: {  	s3 =	simm.s32 @!p0 $0x1082;
	s9 =	sld [smem:$0x3FB6]  }
0x2f: {  	lr =	sadd.s32 s0, s3;
	s0 =	sld [smem:$0x3FAD]  }
0x30: {  	s3 =	sld [smem:$0x3FB0]  }
0x31: {  	[smem:$0x3FB9] =	sst s10  }
0x32: {  	s10 =	sld [smem:$0x3FB7];
	_ =	sdelay $0x3  }
0x33: {  	p0 =	seq.s32 s10, $0x1;
	s10 =	sld [smem:$0x3FB9];
	_ =	sdelay $0x3  }
0x34: {  	[smem:$0x3FB9] =	sst s10  }
0x35: {  	s10 =	sld [smem:$0x3FB8];
	_ =	sdelay $0x3  }
0x36: {  	p1 =	seq.s32 s10, $0x1;
	s10 =	sld [smem:$0x3FB9];
	_ =	sdelay $0x3  }
0x37: {  	[smem:$0x3FB9] =	sst s10  }
0x38: {  	s10 =	sld [smem:$0x3FBA]  }
0x39: {  	_ = 	snop;
	(pc) =	sbr.ind lr, $3  }
0x3a: {  	_ = 	snop  }
0x3b: {  	_ = 	snop  }
0x3c: {  	p2 =	seq.s32 s10, $0x1;
	s10 =	sld [smem:$0x3FB9]  }
0x3d: {  	_ =	shalt  }
0x3e: {  	_ =	shalt  }
0x3f: {  	_ =	shalt  }
0x40: {  	_ =	shalt  }
0x41: {  	_ =	shalt  }
0x42: {  	_ =	shalt  }
0x43: {  	_ =	shalt  }
0x44: {  	_ =	shalt  }
0x45: {  	_ =	shalt  }
0x46: {  	_ =	shalt  }
0x47: {  	_ =	shalt  }
0x48: {  	_ =	shalt  }
0x49: {  	_ =	shalt  }
0x4a: {  	_ =	shalt  }
0x4b: {  	_ =	shalt  }
0x4c: {  	_ =	shalt  }
0x4d: {  	_ =	shalt  }
0x4e: {  	_ =	shalt  }
0x4f: {  	_ =	shalt  }
0x50: {  	_ =	shalt  }
0x51: {  	_ =	shalt  }
0x52: {  	_ =	shalt  }
0x53: {  	_ =	shalt  }
0x54: {  	_ =	shalt  }
0x55: {  	_ =	shalt  }
0x56: {  	_ =	shalt  }
0x57: {  	_ =	shalt  }
0x58: {  	_ =	shalt  }
0x59: {  	_ =	shalt  }
0x5a: {  	_ =	shalt  }
0x5b: {  	_ =	shalt  }
0x5c: {  	_ =	shalt  }
0x5d: {  	_ =	shalt  }
0x5e: {  	_ =	shalt  }
0x5f: {  	_ =	shalt  }
0x60: {  	_ =	shalt  }
0x61: {  	_ =	shalt  }
0x62: {  	_ =	shalt  }
0x63: {  	_ =	shalt  }
0x64: {  	_ =	shalt  }
0x65: {  	_ =	shalt  }
0x66: {  	_ =	shalt  }
0x67: {  	_ =	shalt  }
0x68: {  	_ =	shalt  }
0x69: {  	_ =	shalt  }
0x6a: {  	_ =	shalt  }
0x6b: {  	_ =	shalt  }
0x6c: {  	_ =	shalt  }
0x6d: {  	_ =	shalt  }
0x6e: {  	_ =	shalt  }
0x6f: {  	_ =	shalt  }
0x70: {  	_ =	shalt  }
0x71: {  	_ =	shalt  }
0x72: {  	_ =	shalt  }
0x73: {  	_ =	shalt  }
0x74: {  	_ =	shalt  }
0x75: {  	_ =	shalt  }
0x76: {  	_ =	shalt  }
0x77: {  	_ =	shalt  }
0x78: {  	_ =	shalt  }
0x79: {  	_ =	shalt  }
0x7a: {  	_ =	shalt  }
0x7b: {  	_ =	shalt  }
0x7c: {  	_ =	shalt  }
0x7d: {  	_ =	shalt  }
0x7e: {  	_ =	shalt  }
0x7f: {  	_ =	shalt  }
0x80: {  	_ =	shalt  }
0x81: {  	_ =	shalt  }
0x82: {  	_ =	shalt  }
0x83: {  	_ =	shalt  }
0x84: {  	_ =	shalt  }
0x85: {  	_ =	shalt  }
0x86: {  	_ =	shalt  }
0x87: {  	_ =	shalt  }
.Lfunc_end0:
.L_simem_size_0:
called_computation_lowered:
.L_overlay_start_0:
0x88: {  	s2 =	sld [smem:$0x3FD9]  }
0x89: {  	s3 =	sld [smem:$0x3FFE];
	_ =	sdelay $0x1  }
0x8a: {  	s1 =	srdreg.scid  }
0x8b: {  	s0 =	sand.u32 $0x1, s1  }
0x8c: {  	s16 =	sshll.u32 s0, $0xA;
	s2 =	sadd.s32 s3, s2  }
0x8d: {  	s2 =	sadd.s32 s2, s16  }
0x8e: {  	[smem:$0x3FC5] =	sst s2  }
0x8f: {  	_ = 	snop  }
0x90: {  	(tm) =	ssettm $0x1  }
0x91: {  	s17 =	sld [smem:$0x3FFB];
	_ =	sdelay $0x3  }
0x92: {  	_ =	strace s17  }
0x93: {  	s2 =	sld [smem:$0x3FFC];
	_ =	sdelay $0x3  }
0x94: {  	_ =	strace s2  }
0x95: {  	s2 =	sld [smem:$0x3FFD];
	_ =	sdelay $0x3  }
0x96: {  	_ =	strace s2  }
0x97: {  	_ =	strace $0x8FFFFFFF  }
0x98: {  	s18 =	sld [smem:$0x3FDB];
	_ =	sdelay $0x1  }
0x99: {  	s19 =	simm.s32 $_scs_section_size  }
0x9a: {  	s4 =	simm.s32 $_size__tile_overlayer_lowered;
	s5 =	simm.s32 $_tile_overlayer_lowered  }
0x9b: {  	s22 =	simm.s32 $0x1BFF;
	s21 =	sshll.u32 s5, $0x1;
	s2 =	sadd.s32 s19, s18  }
0x9c: {  	s6 =	simm.s32 $0x0;
	s20 =	sshll.u32 s4, $0x1;
	s4 =	sadd.s32 s21, s2  }
0x9d: {  	[timem:s6], [sflag:s22] =	dma.local [hbm:s4], s20  }
0x9e: {  	_ =	swait.ge [sflag:s22], s20  }
0x9f: {  	s3 =	ssub.s32 $0x0, s20;
	[sflag:s22] =	ssyncset.done $0x0  }
0xa0: {  	[sflag:s22] =	ssyncadd.s32 s3;
	_ =	sdelay $0x1  }
0xa1: {  	s23 =	simm.s32 $0x1B8B  }
0xa2: {  	_ =	swait.ge [sflag:s23], $0x1  }
0xa3: {  	[sflag:s23] =	ssyncset.done $0x0  }
0xa4: {  	s25 =	simm.s32 $0x1B8E;
	s24 =	sld [smem:$0x3FFE];
	[sflag:s23] =	ssyncadd.s32 $0xFFFFFFFF  }
0xa5: {  	s26 =	simm.s32 $execute0_lowered;
	[smem:$0x3FD2] =	sst s25  }
0xa6: {  	s4 =	sshll.u32 s26, $0x1;
	_ =	strace $0x80000046;
	[dreg:$0x1] =	wrdreg $0xFFFFFFFF  }
0xa7: {  	s28 =	simm.s32 $_size_execute0_lowered;
	s2 =	sadd.s32 s2, s4;
	[dreg:$0x0] =	wrdreg $0x0  }
0xa8: {  	s4 =	sshll.u32 s28, $0x1;
	[dreg:$0x2] =	wrdreg s2  }
0xa9: {  	[dreg:$0x3] =	wrdreg s4  }
0xaa: {  	[dreg:$0x4] =	wrdreg $0xC0  }
0xab: {  	_ =	task [dreg:s6], $0x5FFFF  }
0xac: {  	[dreg:$0x1] =	wrdreg $0xFFFFFFFF  }
0xad: {  	[dreg:$0x0] =	wrdreg $0x60  }
0xae: {  	[dreg:$0x2] =	wrdreg s24  }
0xaf: {  	[dreg:$0x3] =	wrdreg $0x9  }
0xb0: {  	_ =	task.clear_ibuf [dreg:s6], $0x4FFFF;
	_ =	strace $0x90000046  }
0xb1: {  	s29 =	simm.s32 $0x9;
	_ =	strace $0x80000048  }
0xb2: {  	_ =	swait.ge [sflag:s29], $0x1  }
0xb3: {  	[sflag:s29] =	ssyncadd.s32 $0xFFFFFFFF  }
0xb4: {  	_ =	strace $0x90000048  }
0xb5: {  	_ =	sfence  }
0xb6: {  	s30 =	sld [smem:$0x0];
	_ =	sdelay $0x2  }
0xb7: {  	s31 =	sshll.u32 s1, $0xD;
	s1 =	sshrl.u32 s1, $0x2  }
0xb8: {  	s3 =	sand.u32 $0x4000, s31;
	s1 =	sadd.s32 s1, s30  }
0xb9: {  	s0 =	sor.u32 s3, s0;
	s1 =	sshll.u32 s1, $0x11  }
0xba: {  	s0 =	sor.u32 s1, s0  }
0xbb: {  	s0 =	sadd.s32 $0x8F2B, s0  }
0xbc: {  	[sflag:s0] =	ssyncadd.remote.s32 $0x1  }
0xbd: {  	_ =	sfence.sel $0xFFFF  }
0xbe: {  	[dreg:$0x0] =	wrdreg $0xFFFFFFFF;
	(pc) =	sbr.abs _section_cstart, $3  }
0xbf: {  	[dreg:$0x1] =	wrdreg $0xFFFFFFFF  }
0xc0: {  	_ =	task.clear_ibuf [dreg:s6], $0x2FFFF;
	_ =	strace $0x9FFFFFFF  }
0xc1: {  	(tm) =	ssettm $0x7FFFFFFF  }
tec
execute0_lowered:
.L_overlay_start_1:
0x0: {  	(tag) =	ssettag $0x1  }
0x1: {  	s1 =	srdreg.scid  }
0x2: {  	s0 =	stileid.u32;
	s8 =	rddreg [dreg:$0x0];
	s3 =	simm.s32 $0x0  }
0x3: {  	s12 =	simm.s32 $0x80;
	s13 =	simm.s32 $0xE400;
	s14 =	simm.s32 $0xA400  }
0x4: {  	s15 =	simm.s32 $0x12400;
	s16 =	simm.s32 $0x1;
	s17 =	simm.s32 $0x3  }
0x5: {  	s18 =	simm.s32 $0x2;
	s19 =	simm.s32 $0x4;
	s20 =	simm.s32 $0x16400  }
0x6: {  	s6 =	sand.u32 $0x1, s1;
	s30 =	sshll.u32 s0, $0x1;
	s1 =	rddreg [dreg:$0x1]  }
0x7: {  	s21 =	simm.s32 $0x0;
	[smem:$0x7FF] =	sst s3;
	s7 =	sor.u32 s6, s30  }
0x8: {  	s5 =	sadd.s32 $0x19400, s8;
	s6 =	ssub.s32 $0x2, s6;
	s2 =	smul.u32 $0x6400, s7  }
0x9: {  	_ =	strace $0x80000047;
	s10 =	sshll.u32 s7, $0x4;
	s11 =	sshrl.u32 s6, $0x1  }
0xa: {  	s7 =	smul.u32 $0x64000, s7;
	s31 =	ssub.s32 s6, s11;
	s4 =	sshrl.u32 s2, $0x3  }
0xb: {  	s11 =	simm.s32 $0x6400;
	s9 =	sadd.s32 s4, s8;
	s4 =	sadd.s32 $0x40600, s8  }
0xc: {  	v1 =	vlaneseq.u32;
	s8 =	sadd.s32 s10, s8;
	s10 =	simm.s32 $0x5;
	s6 =	sadd.s32 $0x400, s9  }
0xd: {  	v0 =	vimm.f32 $0.0e+00;
	v1 =	vmul.u32 $0x80, v1;
	s7 =	sadd.s32 s4, s7;
	s8 =	sadd.s32 $0xCC0600, s8;
	s9 =	smax.u32 s31, $0x1  }
.LBB2_1:
0xe: {  	[tilespmem:$0x16400] =	vst v0  }
0xf: {  	[tilespmem:s3], [sflag:$0x5] =	stream.linear.gather [hbm4b:s6+s3], $0x6400, $0x38;
	[tilespmem:$0x16480] =	vst v63  }
0x10: {  	_ =	swait.ge [sflag:s10], $0x6400  }
0x11: {  	[sflag:s10] =	ssyncset.done $0x0  }
0x12: {  	[sflag:s10] =	ssyncadd.s32 $0xFFFF9C00  }
0x13: {  	[tilespmem:s11], [sflag:$0x1] =	stream.linear.gather [hbm4b:s7+s3], $0x4000, $0x38;
	[tilespmem:$0x16480] =	vst v63  }
0x14: {  	s22 =	simm.s32 $0x0  }
0x15: {  	[tilespmem:s13], [sflag:$0x3] =	stream.indirect.gather [hbm4b:s5+s12], $0x80, s3, s12, $0xb8;
	[tilespmem:$0x16480] =	vst v63  }
.LBB2_2:
0x16: {  	s23 =	sshll.u32 s22, $0x8  }
0x17: {  	s24 =	sor.u32 $0x80, s23  }
0x18: {  	s23 =	sadd.s32 s2, s24  }
0x19: {  	s23 =	sshll.u32 s23, $0x4  }
0x1a: {  	s25 =	sadd.s32 s4, s23;
	s23 =	simm.s32 $0x0  }
0x1b: {  	[tilespmem:s14], [sflag:$0x2] =	stream.linear.gather [hbm4b:s25+s23], $0x4000, $0x38;
	[tilespmem:$0x16480] =	vst v63  }
0x1c: {  	_ = 	snop  }
0x1d: {  	[tilespmem:s15], [sflag:$0x4] =	stream.indirect.gather [hbm4b:s5+s12], $0x80, s24, s12, $0xb8;
	[tilespmem:$0x16480] =	vst v63  }
0x1e: {  	_ =	swait.ge [sflag:s16], $0x4000  }
0x1f: {  	[sflag:s16] =	ssyncset.done $0x0  }
0x20: {  	[sflag:s16] =	ssyncadd.s32 $0xFFFFC000  }
0x21: {  	_ =	swait.ge [sflag:s17], $0x4000  }
0x22: {  	[sflag:s17] =	ssyncset.done $0x0  }
0x23: {  	s24 =	simm.s32 $0x0;
	[sflag:s17] =	ssyncadd.s32 $0xFFFFC000  }
.LBB2_3:
0x24: {  	s25 =	sshll.u32 s24, $0x4  }
0x25: {  	v2 =	vmov s25  }
0x26: {  	v2 =	vshll.u32 v2, $0x7  }
0x27: {  	v3 =	vor.u32 v1, v2  }
0x28: {  	v4 =	vor.u32 s23, v3  }
0x29: {  	s29 =	simm.s32 $0x6  }
0x2a: {  	v6 =	vor.u32 s29, v3  }
0x2b: {  	s26 =	simm.s32 $0x4  }
0x2c: {  	v8 =	vor.u32 s26, v3  }
0x2d: {  	s28 =	simm.s32 $0x2;
	v7 =	vld.idx.msk [tilespmem:v4+s13+$0x0], $0xffff  }
0x2e: {  	v10 =	vor.u32 s28, v3;
	v4 =	vld.idx.msk [tilespmem:v4+s11+$0x0], $0xffff  }
0x2f: {  	v2 =	vor.u32 $0x1, v3;
	v17 =	vld.idx.msk [tilespmem:v6+s13+$0x0], $0xffff  }
0x30: {  	v5 =	vor.u32 s23, v2;
	v20 =	vld.idx.msk [tilespmem:v6+s11+$0x0], $0xffff  }
0x31: {  	v14 =	vld.idx.msk [tilespmem:v8+s13+$0x0], $0xffff  }
0x32: {  	v11 =	vor.u32 s28, v2;
	v15 =	vld.idx.msk [tilespmem:v8+s11+$0x0], $0xffff  }
0x33: {  	v12 =	vld.idx.msk [tilespmem:v10+s13+$0x0], $0xffff  }
0x34: {  	v6 =	vor.u32 s26, v2;
	v13 =	vld.idx.msk [tilespmem:v10+s11+$0x0], $0xffff  }
0x35: {  	v9 =	vld.idx.msk [tilespmem:v5+s13+$0x0], $0xffff  }
0x36: {  	v10 =	vor.u32 s29, v2;
	v5 =	vld.idx.msk [tilespmem:v5+s11+$0x0], $0xffff  }
0x37: {  	s30 =	simm.s32 $0x8;
	v16 =	vld.idx.msk [tilespmem:v11+s13+$0x0], $0xffff  }
0x38: {  	v18 =	vor.u32 s30, v3;
	v19 =	vld.idx.msk [tilespmem:v11+s11+$0x0], $0xffff  }
0x39: {  	v21 =	vld.idx.msk [tilespmem:v6+s13+$0x0], $0xffff  }
0x3a: {  	v22 =	vor.u32 s30, v2;
	v23 =	vld.idx.msk [tilespmem:v6+s11+$0x0], $0xffff  }
0x3b: {  	s25 =	simm.s32 $0xE;
	v8 =	vld.idx.msk [tilespmem:v10+s13+$0x0], $0xffff  }
0x3c: {  	s28 =	simm.s32 $0xC;
	v11 =	vor.u32 s25, v3;
	v7 =	vmul.f32 v4, v7;
	v10 =	vld.idx.msk [tilespmem:v10+s11+$0x0], $0xffff;
	v5 =	vmul.f32 v5, v9  }
0x3d: {  	v4 =	vld.idx.msk [tilespmem:v18+s13+$0x0], $0xffff;
	v24 =	vmul.f32 v13, v12;
	v12 =	vor.u32 s28, v3;
	v9 =	vimm.f32 $0.0e+00  }
0x3e: {  	s31 =	simm.s32 $0xA;
	v6 =	vld.idx.msk [tilespmem:v18+s11+$0x0], $0xffff;
	v16 =	vmul.f32 v19, v16;
	v18 =	vadd.f32 v7, v9;
	v5 =	vadd.f32 v5, v9  }
0x3f: {  	v13 =	vor.u32 s31, v3;
	v15 =	vmul.f32 v15, v14;
	v7 =	vld.idx.msk [tilespmem:v22+s13+$0x0], $0xffff  }
0x40: {  	v9 =	vld.idx.msk [tilespmem:v22+s11+$0x0], $0xffff;
	v18 =	vadd.f32 v24, v18;
	v16 =	vadd.f32 v16, v5;
	v19 =	vmul.f32 v23, v21  }
0x41: {  	s26 =	simm.s32 $0x10;
	v14 =	vor.u32 s31, v2;
	v17 =	vmul.f32 v20, v17;
	v5 =	vld.idx.msk [tilespmem:v11+s13+$0x0], $0xffff  }
.LBB2_4:
0x42: {  	p0 =	slt.u32 s26, $0x38;
	v20 =	vld.idx.msk [tilespmem:v11+s11+$0x0], $0xffff;
	v11 =	vadd.f32 v15, v18;
	v15 =	vadd.f32 v19, v16;
	v8 =	vmul.f32 v10, v8  }
0x43: {  	v16 =	vld.idx.msk [tilespmem:v12+s13+$0x0], $0xffff  }
0x44: {  	v10 =	vor.u32 s28, v2;
	v18 =	vld.idx.msk [tilespmem:v12+s11+$0x0], $0xffff;
	v17 =	vadd.f32 v17, v11;
	v15 =	vadd.f32 v8, v15  }
0x45: {  	v19 =	vld.idx.msk [tilespmem:v13+s13+$0x0], $0xffff  }
0x46: {  	v12 =	vor.u32 s25, v2;
	v13 =	vld.idx.msk [tilespmem:v13+s11+$0x0], $0xffff  }
0x47: {  	v21 =	vld.idx.msk [tilespmem:v14+s13+$0x0], $0xffff  }
0x48: {  	v22 =	vor.u32 s26, v3;
	v14 =	vld.idx.msk [tilespmem:v14+s11+$0x0], $0xffff  }
0x49: {  	v23 =	vld.idx.msk [tilespmem:v10+s13+$0x0], $0xffff  }
0x4a: {  	v24 =	vor.u32 s26, v2;
	v25 =	vld.idx.msk [tilespmem:v10+s11+$0x0], $0xffff  }
0x4b: {  	s25 =	sadd.s32 $0x6, s26;
	v8 =	vld.idx.msk [tilespmem:v12+s13+$0x0], $0xffff  }
0x4c: {  	s28 =	sadd.s32 $0x4, s26;
	v26 =	vmul.f32 v6, v4;
	v11 =	vor.u32 s25, v3;
	v7 =	vmul.f32 v9, v7;
	v10 =	vld.idx.msk [tilespmem:v12+s11+$0x0], $0xffff  }
.Ltmp0:
0x4d: {  	v19 =	vmul.f32 v13, v19;
	v12 =	vor.u32 s28, v3;
	v4 =	vld.idx.msk [tilespmem:v22+s13+$0x0], $0xffff;
	(pc) =	sbr.rel @p0 .LBB2_4-.Ltmp0, $4  }
0x4e: {  	s29 =	sadd.s32 $0x2, s26;
	v17 =	vadd.f32 v26, v17;
	v14 =	vmul.f32 v14, v21;
	v6 =	vld.idx.msk [tilespmem:v22+s11+$0x0], $0xffff;
	v22 =	vadd.f32 v7, v15  }
0x4f: {  	v13 =	vor.u32 s29, v3;
	v15 =	vmul.f32 v18, v16;
	v7 =	vld.idx.msk [tilespmem:v24+s13+$0x0], $0xffff  }
0x50: {  	v18 =	vadd.f32 v19, v17;
	v19 =	vmul.f32 v25, v23;
	v9 =	vld.idx.msk [tilespmem:v24+s11+$0x0], $0xffff;
	v16 =	vadd.f32 v14, v22  }
0x51: {  	s26 =	sadd.s32 $0x8, s26;
	v17 =	vmul.f32 v20, v5;
	v14 =	vor.u32 s29, v2;
	v5 =	vld.idx.msk [tilespmem:v11+s13+$0x0], $0xffff  }
0x52: {  	_ =	sdelay $0x3  }
0x53: {  	v3 =	vld.idx.msk [tilespmem:v11+s11+$0x0], $0xffff  }
0x54: {  	v48 =	vld.idx.msk [tilespmem:v12+s13+$0x0], $0xffff  }
0x55: {  	v49 =	vld.idx.msk [tilespmem:v12+s11+$0x0], $0xffff;
	v20 =	vor.u32 s28, v2  }
0x56: {  	v21 =	vld.idx.msk [tilespmem:v13+s13+$0x0], $0xffff  }
0x57: {  	v50 =	vld.idx.msk [tilespmem:v13+s11+$0x0], $0xffff;
	v2 =	vor.u32 s25, v2  }
0x58: {  	v22 =	vld.idx.msk [tilespmem:v14+s13+$0x0], $0xffff  }
0x59: {  	v15 =	vadd.f32 v15, v18;
	v51 =	vld.idx.msk [tilespmem:v14+s11+$0x0], $0xffff  }
0x5a: {  	v16 =	vadd.f32 v19, v16;
	v8 =	vmul.f32 v10, v8;
	v52 =	vld.idx.msk [tilespmem:v20+s13+$0x0], $0xffff  }
0x5b: {  	v4 =	vmul.f32 v6, v4;
	v15 =	vadd.f32 v17, v15;
	v53 =	vld.idx.msk [tilespmem:v20+s11+$0x0], $0xffff  }
0x5c: {  	v8 =	vadd.f32 v8, v16;
	v55 =	vmul.f32 v9, v7;
	v54 =	vld.idx.msk [tilespmem:v2+s13+$0x0], $0xffff  }
0x5d: {  	v4 =	vadd.f32 v4, v15;
	v2 =	vld.idx.msk [tilespmem:v2+s11+$0x0], $0xffff  }
0x5e: {  	v56 =	vmul.f32 v50, v21;
	v6 =	vadd.f32 v55, v8;
	v57 =	vmul.f32 v51, v22  }
0x5f: {  	v58 =	vmul.f32 v49, v48  }
0x60: {  	v4 =	vadd.f32 v56, v4;
	v6 =	vadd.f32 v57, v6;
	v59 =	vmul.f32 v53, v52  }
0x61: {  	v3 =	vmul.f32 v3, v5  }
0x62: {  	v4 =	vadd.f32 v58, v4;
	v2 =	vmul.f32 v2, v54;
	v60 =	vadd.f32 v59, v6;
	_ =	sdelay $0x1  }
0x63: {  	v3 =	vadd.f32 v3, v4;
	v2 =	vadd.f32 v2, v60;
	_ =	sdelay $0x1  }
0x64: {  	v2 =	vadd.f32 v2, v3;
	_ =	sdelay $0x1  }
0x65: {  	v3 =	vand.u32 $0x7FFFFFFF, v2  }
0x66: {  	v3 =	vsub.f32 $0.0e+00, v3;
	_ =	sdelay $0x1  }
0x67: {  	v3 =	vmul.f32 $1.442695020e+00, v3;
	_ =	sdelay $0x1  }
0x68: {  	(erf) = vpow2.f32 v3;
	_ =	sdelay $0x8  }
0x69: {  	v3 =	vpop (erf)  }
0x6a: {  	v61 =	vadd.f32 $2.000000000e+00, v3;
	_ =	sdelay $0x1  }
0x6b: {  	(erf) = vrcp.f32 v61;
	_ =	sdelay $0x8  }
0x6c: {  	v4 =	vpop (erf)  }
0x6d: {  	v3 =	vmul.f32 v4, v3;
	_ =	sdelay $0x1  }
0x6e: {  	v4 =	vmul.f32 v3, v3;
	_ =	sdelay $0x1  }
0x6f: {  	v62 =	vmul.f32 $7.692307980e-02, v4;
	_ =	sdelay $0x1  }
0x70: {  	v5 =	vadd.f32 $9.090909360e-02, v62;
	_ =	sdelay $0x1  }
0x71: {  	v5 =	vmul.f32 v5, v4;
	_ =	sdelay $0x1  }
0x72: {  	v5 =	vadd.f32 $1.111111120e-01, v5;
	_ =	sdelay $0x1  }
0x73: {  	v5 =	vmul.f32 v5, v4;
	_ =	sdelay $0x1  }
0x74: {  	v5 =	vadd.f32 $1.428571490e-01, v5;
	_ =	sdelay $0x1  }
0x75: {  	v5 =	vmul.f32 v5, v4;
	_ =	sdelay $0x1  }
0x76: {  	v5 =	vadd.f32 $2.000000030e-01, v5;
	_ =	sdelay $0x1  }
0x77: {  	v5 =	vmul.f32 v5, v4;
	_ =	sdelay $0x1  }
0x78: {  	v5 =	vadd.f32 $3.333333430e-01, v5;
	_ =	sdelay $0x1  }
0x79: {  	v4 =	vmul.f32 v5, v4;
	_ =	sdelay $0x1  }
0x7a: {  	v3 =	vadd.f32 v3, v3;
	v4 =	vadd.f32 $1.000000000e+00, v4  }
0x7b: {  	v63 =	vld [tilespmem:$0x16400]  }
0x7c: {  	s24 =	sadd.s32 $0x1, s24;
	v3 =	vmul.f32 v4, v3  }
0x7d: {  	p0 =	sne.s32 s24, $0x8;
	v2 =	vmin.f32 v2, $0.0e+00  }
.Ltmp1:
0x7e: {  	v2 =	vsub.f32 v2, v3;
	(pc) =	sbr.rel @p0 .LBB2_3-.Ltmp1, $3  }
0x7f: {  	_ = 	snop  }
0x80: {  	v2 =	vadd.f32 v63, v2;
	_ =	sdelay $0x1  }
0x81: {  	[tilespmem:$0x16400] =	vst v2  }
0x82: {  	p0 =	seq.s32 s22, $0x63  }
0x83: {  	s23 =	sshll.u32 @!p0 s22, $0x1  }
0x84: {  	s23 =	sadd.s32 @!p0 $0x2, s23  }
0x85: {  	s25 =	simm.s32 @!p0 $0x0;
	s24 =	sshll.u32 @!p0 s23, $0xB  }
0x86: {  	s26 =	simm.s32 @!p0 $0x6400;
	s23 =	sshll.u32 @!p0 s23, $0x7;
	s24 =	sadd.s32 @!p0 s24, s7  }
0x87: {  	[tilespmem:s26], [sflag:$0x1] =	stream.linear.gather @!p0 [hbm4b:s24+s25], $0x4000, $0x38;
	[tilespmem:$0x16480] =	vst v63  }
0x88: {  	s23 =	sand.u32 @!p0 $0x3FFFFF00, s23;
	s24 =	simm.s32 @!p0 $0x80;
	s25 =	simm.s32 @!p0 $0xE400  }
0x89: {  	[tilespmem:s25], [sflag:$0x3] =	stream.indirect.gather @!p0 [hbm4b:s5+s24], $0x80, s23, s24, $0xb8;
	[tilespmem:$0x16480] =	vst v63  }
0x8a: {  	_ =	swait.ge [sflag:s18], $0x4000  }
0x8b: {  	[sflag:s18] =	ssyncset.done $0x0  }
0x8c: {  	[sflag:s18] =	ssyncadd.s32 $0xFFFFC000  }
0x8d: {  	_ =	swait.ge [sflag:s19], $0x4000  }
0x8e: {  	[sflag:s19] =	ssyncset.done $0x0  }
0x8f: {  	s23 =	simm.s32 $0x0;
	s24 =	simm.s32 $0x0;
	[sflag:s19] =	ssyncadd.s32 $0xFFFFC000  }
.LBB2_7:
0x90: {  	s25 =	sshll.u32 s24, $0x4  }
0x91: {  	v2 =	vmov s25  }
0x92: {  	v2 =	vshll.u32 v2, $0x7  }
0x93: {  	v3 =	vor.u32 v1, v2  }
0x94: {  	v4 =	vor.u32 s23, v3  }
0x95: {  	s29 =	simm.s32 $0x6  }
0x96: {  	v6 =	vor.u32 s29, v3  }
0x97: {  	s26 =	simm.s32 $0x4  }
0x98: {  	v8 =	vor.u32 s26, v3  }
0x99: {  	s28 =	simm.s32 $0x2;
	v7 =	vld.idx.msk [tilespmem:v4+s15+$0x0], $0xffff  }
0x9a: {  	v10 =	vor.u32 s28, v3;
	v4 =	vld.idx.msk [tilespmem:v4+s14+$0x0], $0xffff  }
0x9b: {  	v2 =	vor.u32 $0x1, v3;
	v17 =	vld.idx.msk [tilespmem:v6+s15+$0x0], $0xffff  }
0x9c: {  	v5 =	vor.u32 s23, v2;
	v20 =	vld.idx.msk [tilespmem:v6+s14+$0x0], $0xffff  }
0x9d: {  	v14 =	vld.idx.msk [tilespmem:v8+s15+$0x0], $0xffff  }
0x9e: {  	v11 =	vor.u32 s28, v2;
	v15 =	vld.idx.msk [tilespmem:v8+s14+$0x0], $0xffff  }
0x9f: {  	v12 =	vld.idx.msk [tilespmem:v10+s15+$0x0], $0xffff  }
0xa0: {  	v6 =	vor.u32 s26, v2;
	v13 =	vld.idx.msk [tilespmem:v10+s14+$0x0], $0xffff  }
0xa1: {  	v9 =	vld.idx.msk [tilespmem:v5+s15+$0x0], $0xffff  }
0xa2: {  	v10 =	vor.u32 s29, v2;
	v5 =	vld.idx.msk [tilespmem:v5+s14+$0x0], $0xffff  }
0xa3: {  	s30 =	simm.s32 $0x8;
	v16 =	vld.idx.msk [tilespmem:v11+s15+$0x0], $0xffff  }
0xa4: {  	v18 =	vor.u32 s30, v3;
	v19 =	vld.idx.msk [tilespmem:v11+s14+$0x0], $0xffff  }
0xa5: {  	v21 =	vld.idx.msk [tilespmem:v6+s15+$0x0], $0xffff  }
0xa6: {  	v22 =	vor.u32 s30, v2;
	v23 =	vld.idx.msk [tilespmem:v6+s14+$0x0], $0xffff  }
0xa7: {  	s25 =	simm.s32 $0xE;
	v8 =	vld.idx.msk [tilespmem:v10+s15+$0x0], $0xffff  }
0xa8: {  	s28 =	simm.s32 $0xC;
	v11 =	vor.u32 s25, v3;
	v7 =	vmul.f32 v4, v7;
	v10 =	vld.idx.msk [tilespmem:v10+s14+$0x0], $0xffff;
	v5 =	vmul.f32 v5, v9  }
0xa9: {  	v4 =	vld.idx.msk [tilespmem:v18+s15+$0x0], $0xffff;
	v24 =	vmul.f32 v13, v12;
	v12 =	vor.u32 s28, v3;
	v9 =	vimm.f32 $0.0e+00  }
0xaa: {  	s31 =	simm.s32 $0xA;
	v6 =	vld.idx.msk [tilespmem:v18+s14+$0x0], $0xffff;
	v16 =	vmul.f32 v19, v16;
	v18 =	vadd.f32 v7, v9;
	v5 =	vadd.f32 v5, v9  }
0xab: {  	v13 =	vor.u32 s31, v3;
	v15 =	vmul.f32 v15, v14;
	v7 =	vld.idx.msk [tilespmem:v22+s15+$0x0], $0xffff  }
0xac: {  	v9 =	vld.idx.msk [tilespmem:v22+s14+$0x0], $0xffff;
	v18 =	vadd.f32 v24, v18;
	v16 =	vadd.f32 v16, v5;
	v19 =	vmul.f32 v23, v21  }
0xad: {  	s26 =	simm.s32 $0x10;
	v14 =	vor.u32 s31, v2;
	v17 =	vmul.f32 v20, v17;
	v5 =	vld.idx.msk [tilespmem:v11+s15+$0x0], $0xffff  }
.LBB2_8:
0xae: {  	p0 =	slt.u32 s26, $0x38;
	v20 =	vld.idx.msk [tilespmem:v11+s14+$0x0], $0xffff;
	v11 =	vadd.f32 v15, v18;
	v15 =	vadd.f32 v19, v16;
	v8 =	vmul.f32 v10, v8  }
0xaf: {  	v16 =	vld.idx.msk [tilespmem:v12+s15+$0x0], $0xffff  }
0xb0: {  	v10 =	vor.u32 s28, v2;
	v18 =	vld.idx.msk [tilespmem:v12+s14+$0x0], $0xffff;
	v17 =	vadd.f32 v17, v11;
	v15 =	vadd.f32 v8, v15  }
0xb1: {  	v19 =	vld.idx.msk [tilespmem:v13+s15+$0x0], $0xffff  }
0xb2: {  	v12 =	vor.u32 s25, v2;
	v13 =	vld.idx.msk [tilespmem:v13+s14+$0x0], $0xffff  }
0xb3: {  	v21 =	vld.idx.msk [tilespmem:v14+s15+$0x0], $0xffff  }
0xb4: {  	v22 =	vor.u32 s26, v3;
	v14 =	vld.idx.msk [tilespmem:v14+s14+$0x0], $0xffff  }
0xb5: {  	v23 =	vld.idx.msk [tilespmem:v10+s15+$0x0], $0xffff  }
0xb6: {  	v24 =	vor.u32 s26, v2;
	v25 =	vld.idx.msk [tilespmem:v10+s14+$0x0], $0xffff  }
0xb7: {  	s25 =	sadd.s32 $0x6, s26;
	v8 =	vld.idx.msk [tilespmem:v12+s15+$0x0], $0xffff  }
0xb8: {  	s28 =	sadd.s32 $0x4, s26;
	v26 =	vmul.f32 v6, v4;
	v11 =	vor.u32 s25, v3;
	v7 =	vmul.f32 v9, v7;
	v10 =	vld.idx.msk [tilespmem:v12+s14+$0x0], $0xffff  }
.Ltmp2:
0xb9: {  	v19 =	vmul.f32 v13, v19;
	v12 =	vor.u32 s28, v3;
	v4 =	vld.idx.msk [tilespmem:v22+s15+$0x0], $0xffff;
	(pc) =	sbr.rel @p0 .LBB2_8-.Ltmp2, $4  }
0xba: {  	s29 =	sadd.s32 $0x2, s26;
	v17 =	vadd.f32 v26, v17;
	v14 =	vmul.f32 v14, v21;
	v6 =	vld.idx.msk [tilespmem:v22+s14+$0x0], $0xffff;
	v22 =	vadd.f32 v7, v15  }
0xbb: {  	v13 =	vor.u32 s29, v3;
	v15 =	vmul.f32 v18, v16;
	v7 =	vld.idx.msk [tilespmem:v24+s15+$0x0], $0xffff  }
0xbc: {  	v18 =	vadd.f32 v19, v17;
	v19 =	vmul.f32 v25, v23;
	v9 =	vld.idx.msk [tilespmem:v24+s14+$0x0], $0xffff;
	v16 =	vadd.f32 v14, v22  }
0xbd: {  	s26 =	sadd.s32 $0x8, s26;
	v17 =	vmul.f32 v20, v5;
	v14 =	vor.u32 s29, v2;
	v5 =	vld.idx.msk [tilespmem:v11+s15+$0x0], $0xffff  }
0xbe: {  	_ =	sdelay $0x3  }
0xbf: {  	v3 =	vld.idx.msk [tilespmem:v11+s14+$0x0], $0xffff  }
0xc0: {  	v48 =	vld.idx.msk [tilespmem:v12+s15+$0x0], $0xffff  }
0xc1: {  	v49 =	vld.idx.msk [tilespmem:v12+s14+$0x0], $0xffff;
	v20 =	vor.u32 s28, v2  }
0xc2: {  	v21 =	vld.idx.msk [tilespmem:v13+s15+$0x0], $0xffff  }
0xc3: {  	v50 =	vld.idx.msk [tilespmem:v13+s14+$0x0], $0xffff;
	v2 =	vor.u32 s25, v2  }
0xc4: {  	v22 =	vld.idx.msk [tilespmem:v14+s15+$0x0], $0xffff  }
0xc5: {  	v15 =	vadd.f32 v15, v18;
	v51 =	vld.idx.msk [tilespmem:v14+s14+$0x0], $0xffff  }
0xc6: {  	v16 =	vadd.f32 v19, v16;
	v8 =	vmul.f32 v10, v8;
	v52 =	vld.idx.msk [tilespmem:v20+s15+$0x0], $0xffff  }
0xc7: {  	v4 =	vmul.f32 v6, v4;
	v15 =	vadd.f32 v17, v15;
	v53 =	vld.idx.msk [tilespmem:v20+s14+$0x0], $0xffff  }
0xc8: {  	v8 =	vadd.f32 v8, v16;
	v55 =	vmul.f32 v9, v7;
	v54 =	vld.idx.msk [tilespmem:v2+s15+$0x0], $0xffff  }
0xc9: {  	v4 =	vadd.f32 v4, v15;
	v2 =	vld.idx.msk [tilespmem:v2+s14+$0x0], $0xffff  }
0xca: {  	v56 =	vmul.f32 v50, v21;
	v6 =	vadd.f32 v55, v8;
	v57 =	vmul.f32 v51, v22  }
0xcb: {  	v58 =	vmul.f32 v49, v48  }
0xcc: {  	v4 =	vadd.f32 v56, v4;
	v6 =	vadd.f32 v57, v6;
	v59 =	vmul.f32 v53, v52  }
0xcd: {  	v3 =	vmul.f32 v3, v5  }
0xce: {  	v4 =	vadd.f32 v58, v4;
	v2 =	vmul.f32 v2, v54;
	v60 =	vadd.f32 v59, v6;
	_ =	sdelay $0x1  }
0xcf: {  	v3 =	vadd.f32 v3, v4;
	v2 =	vadd.f32 v2, v60;
	_ =	sdelay $0x1  }
0xd0: {  	v2 =	vadd.f32 v2, v3;
	_ =	sdelay $0x1  }
0xd1: {  	v3 =	vand.u32 $0x7FFFFFFF, v2  }
0xd2: {  	v3 =	vsub.f32 $0.0e+00, v3;
	_ =	sdelay $0x1  }
0xd3: {  	v3 =	vmul.f32 $1.442695020e+00, v3;
	_ =	sdelay $0x1  }
0xd4: {  	(erf) = vpow2.f32 v3;
	_ =	sdelay $0x8  }
0xd5: {  	v3 =	vpop (erf)  }
0xd6: {  	v61 =	vadd.f32 $2.000000000e+00, v3;
	_ =	sdelay $0x1  }
0xd7: {  	(erf) = vrcp.f32 v61;
	_ =	sdelay $0x8  }
0xd8: {  	v4 =	vpop (erf)  }
0xd9: {  	v3 =	vmul.f32 v4, v3;
	_ =	sdelay $0x1  }
0xda: {  	v4 =	vmul.f32 v3, v3;
	_ =	sdelay $0x1  }
0xdb: {  	v62 =	vmul.f32 $7.692307980e-02, v4;
	_ =	sdelay $0x1  }
0xdc: {  	v5 =	vadd.f32 $9.090909360e-02, v62;
	_ =	sdelay $0x1  }
0xdd: {  	v5 =	vmul.f32 v5, v4;
	_ =	sdelay $0x1  }
0xde: {  	v5 =	vadd.f32 $1.111111120e-01, v5;
	_ =	sdelay $0x1  }
0xdf: {  	v5 =	vmul.f32 v5, v4;
	_ =	sdelay $0x1  }
0xe0: {  	v5 =	vadd.f32 $1.428571490e-01, v5;
	_ =	sdelay $0x1  }
0xe1: {  	v5 =	vmul.f32 v5, v4;
	_ =	sdelay $0x1  }
0xe2: {  	v5 =	vadd.f32 $2.000000030e-01, v5;
	_ =	sdelay $0x1  }
0xe3: {  	v5 =	vmul.f32 v5, v4;
	_ =	sdelay $0x1  }
0xe4: {  	v5 =	vadd.f32 $3.333333430e-01, v5;
	_ =	sdelay $0x1  }
0xe5: {  	v4 =	vmul.f32 v5, v4;
	_ =	sdelay $0x1  }
0xe6: {  	v3 =	vadd.f32 v3, v3;
	v4 =	vadd.f32 $1.000000000e+00, v4  }
0xe7: {  	v63 =	vld [tilespmem:$0x16400]  }
0xe8: {  	s24 =	sadd.s32 $0x1, s24;
	v3 =	vmul.f32 v4, v3  }
0xe9: {  	p0 =	sne.s32 s24, $0x8;
	v2 =	vmin.f32 v2, $0.0e+00  }
.Ltmp3:
0xea: {  	v2 =	vsub.f32 v2, v3;
	(pc) =	sbr.rel @p0 .LBB2_7-.Ltmp3, $3  }
0xeb: {  	_ = 	snop  }
0xec: {  	v2 =	vadd.f32 v63, v2;
	_ =	sdelay $0x1  }
0xed: {  	[tilespmem:$0x16400] =	vst v2  }
0xee: {  	s22 =	sadd.s32 $0x1, s22  }
0xef: {  	p0 =	sne.s32 s22, $0x64  }
.Ltmp4:
0xf0: {  	_ = 	snop;
	(pc) =	sbr.rel @p0 .LBB2_2-.Ltmp4, $1  }
0xf1: {  	_ =	sdelay $0x3  }
0xf2: {  	s21 =	sadd.s32 $0x1, s21  }
0xf3: {  	p0 =	sne.s32 s21, s9  }
.Ltmp5:
0xf4: {  	_ = 	snop;
	(pc) =	sbr.rel @p0 .LBB2_1-.Ltmp5, $4  }
0xf5: {  	[hbm4b:s8+s3] =	stream.linear.scatter [tilespmem:s20], [sflag:$0x5], $0x80, $0x38;
	[tilespmem:$0x16480] =	vst v63  }
0xf6: {  	_ =	swait.ge [sflag:s10], $0x80  }
0xf7: {  	[sflag:s10] =	ssyncset.done $0x0  }
0xf8: {  	[sflag:s10] =	ssyncadd.s32 $0xFFFFFF80  }
0xf9: {  	_ =	sfence.sel $0x180000  }
0xfa: {  	[bflag:$0x0] =	sbarrier.arrive $0xFFFF  }
0xfb: {  	p0 =	sne.s32 s0, $0x0;
	_ =	strace $0x90000047  }
0xfc: {  	s0 =	sadd.s32 @!p0 $0x100000, s1;
	[bflag:$0x2] =	sbarrier.arrive $0xFFFF  }
0xfd: {  	[sflag:s0] =	ssyncadd.tile.s32 @!p0 $0x1;
	_ =	shalt  }
.Lfunc_end2:
_tile_overlayer_lowered:
.L_overlay_start_2:
0xfe: {  	(tag) =	ssettag $0x2  }
0xff: {  	s0 =	rddreg [dreg:$0x0];
	s2 =	stileid.u32  }
0x100: {  	s1 =	rddreg [dreg:$0x1];
	p0 =	sne.s32 s2, $0x0  }
0x101: {  	s3 =	rddreg [dreg:$0x2];
	[bflag:$0x3] =	sbarrier.arrive $0xFFFF;
	s2 =	simm.s32 @!p0 $0x1C05  }
0x102: {  	[timem:s3], [sflag:s2] =	dma.local @!p0 [hbm:s0], s1  }
0x103: {  	s0 =	simm.s32 @!p0 $0x5  }
0x104: {  	_ =	swait.ge @!p0 [sflag:s0], s1  }
0x105: {  	s1 =	ssub.s32 @!p0 $0x0, s1;
	[sflag:s0] =	ssyncset.done @!p0 $0x0  }
0x106: {  	[sflag:s0] =	ssyncadd.s32 @!p0 s1  }
0x107: {  	[bflag:$0x3] =	sbarrier.arrive $0xFFFF  }
0x108: {  	_ =	shalt  }

</sc_bundles>
